<compile_context>
chip_gen: v7x
topology: tpu7x:2x2x1
jax: 0.10.2.dev20260603
libtpu: 0.0.44.dev20260713+nightly
codegen_flags: <defaults>
</compile_context>

<pallas_src>
import functools

import jax
import jax.numpy as jnp
from jax import lax
from jax.experimental import pallas as pl
from jax.experimental.pallas import tpu as pltpu
from jax.experimental.pallas import tpu_sc as plsc

_NUM_CODE = 1024
_CODE_DIM = 256
_BETA = 0.1
_ROWS_PER_BLOCK = 2048

_SC_INFO = plsc.get_sparse_core_info()
_NC = _SC_INFO.num_cores
_NS = _SC_INFO.num_subcores
_NW = _NC * _NS


def _vq_body(z_ref, cb_ref,
             oh_ref, idx_ref, cnt_ref, sq_ref, se_ref):
    i = pl.program_id(0)
    z = z_ref[...]
    cb = cb_ref[...]

    @pl.when(i == 0)
    def _():
        se_col = jnp.sum(cb * cb, axis=1, keepdims=True)
        se_ref[...] = se_col.reshape(1, -1)

    mm = jax.lax.dot_general(z, cb, (((1,), (1,)), ((), ())),
                             preferred_element_type=jnp.float32)
    sz_col = jnp.sum(z * z, axis=1, keepdims=True)
    d = (sz_col + se_ref[...]) - 2.0 * mm
    m = jnp.min(d, axis=1, keepdims=True)
    lane = jax.lax.broadcasted_iota(jnp.int32, d.shape, 1)
    idx = jnp.min(jnp.where(d == m, lane, _NUM_CODE), axis=1, keepdims=True)
    oh = (lane == idx).astype(jnp.float32)
    oh_ref[...] = oh
    idx_row = jax.lax.transpose(idx.astype(jnp.float32), (1, 0))
    idx_ref[...] = idx_row.astype(jnp.int32).reshape(1, 1, -1)
    cnt = jnp.sum(oh, axis=0, keepdims=True)
    sq = jnp.sum(m).reshape(1, 1)

    @pl.when(i == 0)
    def _():
        cnt_ref[...] = cnt
        sq_ref[...] = sq

    @pl.when(i != 0)
    def _():
        cnt_ref[...] += cnt
        sq_ref[...] += sq


def _gather_rows(n_rows, chunk):
    n_chunks = n_rows // (_NW * chunk)
    mesh = plsc.VectorSubcoreMesh(core_axis_name="c", subcore_axis_name="s")

    @functools.partial(
        pl.kernel, mesh=mesh,
        out_type=jax.ShapeDtypeStruct((n_rows, _CODE_DIM), jnp.float32),
        scratch_types=[
            pltpu.VMEM((n_chunks, chunk), jnp.int32),
            pltpu.VMEM((n_chunks, chunk, _CODE_DIM), jnp.float32),
            pltpu.SemaphoreType.DMA,
            pltpu.SemaphoreType.DMA,
        ],
    )
    def gather(cb_hbm, idx_hbm, out_hbm, idx_v, rows_v, gsem, ssem):
        wid = lax.axis_index("s") * _NC + lax.axis_index("c")
        base = wid * (n_chunks * chunk)
        for j in range(n_chunks):
            pltpu.sync_copy(idx_hbm.at[pl.ds(base + j * chunk, chunk)],
                            idx_v.at[j])
        gathers = [pltpu.async_copy(cb_hbm.at[idx_v.at[j]], rows_v.at[j], gsem)
                   for j in range(n_chunks)]
        stores = []
        for j in range(n_chunks):
            gathers[j].wait()
            stores.append(pltpu.async_copy(
                rows_v.at[j], out_hbm.at[pl.ds(base + j * chunk, chunk)], ssem))
        for s in stores:
            s.wait()

    return gather


def kernel(z, codebook):
    B, T, D = z.shape
    n_rows = B * T
    z_flat = z.reshape(-1, D)
    R = _ROWS_PER_BLOCK
    grid = (n_rows // R,)
    oh, idx, cnt, sq = pl.pallas_call(
        _vq_body,
        grid=grid,
        in_specs=[
            pl.BlockSpec((R, D), lambda i: (i, 0)),
            pl.BlockSpec((_NUM_CODE, D), lambda i: (0, 0)),
        ],
        scratch_shapes=[pltpu.VMEM((1, _NUM_CODE), jnp.float32)],
        out_specs=[
            pl.BlockSpec((R, _NUM_CODE), lambda i: (i, 0)),
            pl.BlockSpec((1, 1, R), lambda i: (i, 0, 0)),
            pl.BlockSpec((1, _NUM_CODE), lambda i: (0, 0)),
            pl.BlockSpec((1, 1), lambda i: (0, 0)),
        ],
        out_shape=[
            jax.ShapeDtypeStruct((n_rows, _NUM_CODE), jnp.float32),
            jax.ShapeDtypeStruct((n_rows // R, 1, R), jnp.int32),
            jax.ShapeDtypeStruct((1, _NUM_CODE), jnp.float32),
            jax.ShapeDtypeStruct((1, 1), jnp.float32),
        ],
    )(z_flat, codebook)

    idx = idx.reshape(n_rows, 1)
    zq_st = _gather_rows(n_rows, 128)(codebook, idx.reshape(-1))

    v = sq[0, 0] / jnp.float32(n_rows * D)
    loss = v + _BETA * v
    e_mean = cnt[0] / jnp.float32(n_rows)
    perplexity = jnp.exp(-jnp.sum(e_mean * jnp.log(e_mean + 1e-10)))
    return (loss, zq_st.reshape(B, T, D), perplexity, oh, idx)

# --- scband reference (transcript-rebuilt; emitter-appended) ---
"""Pipeline reference for scband-mask-git-88587995447644 (READ-ONLY COPY).

The authoritative reference and input builder live on the scoring server;
editing this copy changes nothing except your own understanding.
"""

import jax, jax.numpy as jnp
import numpy as np

NUM_CODE = 1024
CODE_DIM = 256
BETA = 0.1


def setup_inputs(seed: int = 0) -> dict:
    key = jax.random.key(seed)
    k1, k2 = jax.random.split(key)
    # z: pre-encoder latent tokens, shape (B, total_tokens, code_dim)
    z = jax.random.normal(k1, (8, 1024, CODE_DIM), dtype=jnp.float32)
    # learned codebook, initialized uniform(-1/n_e, 1/n_e) like nn.Embedding in VectorQuantizer
    codebook = jax.random.uniform(k2, (NUM_CODE, CODE_DIM), minval=-1.0 / NUM_CODE, maxval=1.0 / NUM_CODE, dtype=jnp.float32)
    return {"z": z, "codebook": codebook}


def reference(z, codebook):
    # Faithful translation of VectorQuantizer.forward used inside VQVAETrans.encode_quantize.
    B, T, D = z.shape
    z_flat = z.reshape(-1, D)  # (B*total, e_dim)
    # pairwise squared distances ||z - e||^2 = ||z||^2 + ||e||^2 - 2 z e^T
    d = (jnp.sum(z_flat ** 2, axis=1, keepdims=True)
         + jnp.sum(codebook ** 2, axis=1)[None, :]
         - 2.0 * (z_flat @ codebook.T))  # (B*total, num_code)
    min_encoding_indices = jnp.argmin(d, axis=1)  # (B*total,)
    min_encodings = jax.nn.one_hot(min_encoding_indices, NUM_CODE, dtype=jnp.float32)  # (B*total, num_code)
    # codebook gather (embedding lookup)
    z_q = jnp.take(codebook, min_encoding_indices, axis=0).reshape(B, T, D)
    # codebook + commitment loss
    loss = jnp.mean((jax.lax.stop_gradient(z_q) - z) ** 2) + BETA * jnp.mean((z_q - jax.lax.stop_gradient(z)) ** 2)
    # straight-through estimator
    z_q_st = z + jax.lax.stop_gradient(z_q - z)
    # perplexity
    e_mean = jnp.mean(min_encodings, axis=0)
    perplexity = jnp.exp(-jnp.sum(e_mean * jnp.log(e_mean + 1e-10)))
    return (loss, z_q_st, perplexity, min_encodings, min_encoding_indices.reshape(-1, 1))

if __name__ == "__main__":
    import jax
    _d = setup_inputs()
    print(jax.jit(kernel)(*tuple(_d.values())))

</pallas_src>

<mosaic_0001>
#map = affine_map<(d0, d1) -> (0, 0)>
#map1 = affine_map<(d0, d1) -> (0)>
module attributes {stable_mosaic.version = 14 : i64} {
  func.func @gather(%arg0: i32, %arg1: i32, %arg2: memref<1024x256xf32, #tpu.memory_space<hbm>>, %arg3: memref<8192xi32, #tpu.memory_space<hbm>>, %arg4: memref<8192x256xf32, #tpu.memory_space<hbm>>, %arg5: memref<2x128xi32, #tpu.memory_space<vmem>>, %arg6: memref<2x128x256xf32, #tpu.memory_space<vmem>>, %arg7: memref<!tpu.dma_semaphore, #tpu.memory_space<semaphore_mem>>, %arg8: memref<!tpu.dma_semaphore, #tpu.memory_space<semaphore_mem>>) attributes {dimension_semantics = [#tpu.dimension_semantics<core_parallel>, #tpu.dimension_semantics<subcore_parallel>], iteration_bounds = array<i64: 2, 16>, scalar_prefetch = 0 : i64, scratch_operands = 4 : i64, tpu.core_type = #tpu.core_type<sc_vector_subcore>, window_params = [{transform_indices = #map}, {transform_indices = #map1}, {transform_indices = #map}]} {
    %mul3A = arith.constant 2 : i32
    %mul3A_0 = arith.muli %arg1, %mul3A : i32
    %add3A = arith.addi %mul3A_0, %arg0 : i32
    %mul3A_1 = arith.constant 256 : i32
    %mul3A_2 = arith.muli %add3A, %mul3A_1 : i32
    %add3A_3 = arith.constant 0 : i32
    %add3A_4 = arith.addi %mul3A_2, %add3A_3 : i32
    %run_scoped3A = arith.constant 0 : i32
    "tpu.region"() ({
      %run_scoped3A_110 = tpu.sem_alloc : memref<!tpu.dma_semaphore, #tpu.memory_space<semaphore_mem>>
      %dma_start3A_111 = arith.constant 0 : i32
      %dma_start3A_112 = tpu.memref_slice %arg5[%run_scoped3A, %dma_start3A_111] : memref<2x128xi32, #tpu.memory_space<vmem>> -> memref<1x128xi32, #tpu.memory_space<vmem>>
      %dma_start3A_113 = tpu.memref_squeeze %dma_start3A_112 : memref<1x128xi32, #tpu.memory_space<vmem>> -> memref<128xi32, #tpu.memory_space<vmem>>
      %dma_start3A_114 = tpu.memref_slice %arg3[%add3A_4] : memref<8192xi32, #tpu.memory_space<hbm>> -> memref<128xi32, #tpu.memory_space<hbm>>
      %dma_start3A_115 = arith.constant 0 : i32
      %dma_start3A_116 = tpu.memref_slice %arg5[%run_scoped3A, %dma_start3A_115] : memref<2x128xi32, #tpu.memory_space<vmem>> -> memref<1x128xi32, #tpu.memory_space<vmem>>
      %dma_start3A_117 = tpu.memref_squeeze %dma_start3A_116 : memref<1x128xi32, #tpu.memory_space<vmem>> -> memref<128xi32, #tpu.memory_space<vmem>>
      %dma_start3A_118 = tpu.memref_slice %arg3[%add3A_4] : memref<8192xi32, #tpu.memory_space<hbm>> -> memref<128xi32, #tpu.memory_space<hbm>>
      tpu.enqueue_dma source(%dma_start3A_118 : memref<128xi32, #tpu.memory_space<hbm>>) target(%dma_start3A_117 : memref<128xi32, #tpu.memory_space<vmem>>) target_semaphore(%run_scoped3A_110 : memref<!tpu.dma_semaphore, #tpu.memory_space<semaphore_mem>>)
      %dma_wait3A_119 = arith.constant 0 : i32
      %dma_wait3A_120 = tpu.memref_slice %arg5[%run_scoped3A, %dma_wait3A_119] : memref<2x128xi32, #tpu.memory_space<vmem>> -> memref<1x128xi32, #tpu.memory_space<vmem>>
      %dma_wait3A_121 = tpu.memref_squeeze %dma_wait3A_120 : memref<1x128xi32, #tpu.memory_space<vmem>> -> memref<128xi32, #tpu.memory_space<vmem>>
      %dma_wait3A_122 = tpu.memref_slice %arg3[%add3A_4] : memref<8192xi32, #tpu.memory_space<hbm>> -> memref<128xi32, #tpu.memory_space<hbm>>
      %dma_wait3A_123 = arith.constant 0 : i32
      %dma_wait3A_124 = tpu.memref_slice %arg5[%run_scoped3A, %dma_wait3A_123] : memref<2x128xi32, #tpu.memory_space<vmem>> -> memref<1x128xi32, #tpu.memory_space<vmem>>
      %dma_wait3A_125 = tpu.memref_squeeze %dma_wait3A_124 : memref<1x128xi32, #tpu.memory_space<vmem>> -> memref<128xi32, #tpu.memory_space<vmem>>
      %dma_wait3A_126 = tpu.memref_slice %arg3[%add3A_4] : memref<8192xi32, #tpu.memory_space<hbm>> -> memref<128xi32, #tpu.memory_space<hbm>>
      tpu.wait_dma2 semaphore(%run_scoped3A_110 : memref<!tpu.dma_semaphore, #tpu.memory_space<semaphore_mem>>) src(%dma_wait3A_126 : memref<128xi32, #tpu.memory_space<hbm>>) dst(%dma_wait3A_125 : memref<128xi32, #tpu.memory_space<vmem>>)
      tpu.yield
    }) : () -> ()
    %add3A_5 = arith.constant 128 : i32
    %add3A_6 = arith.addi %mul3A_2, %add3A_5 : i32
    %run_scoped3A_7 = arith.constant 1 : i32
    "tpu.region"() ({
      %run_scoped3A_110 = tpu.sem_alloc : memref<!tpu.dma_semaphore, #tpu.memory_space<semaphore_mem>>
      %dma_start3A_111 = arith.constant 0 : i32
      %dma_start3A_112 = tpu.memref_slice %arg5[%run_scoped3A_7, %dma_start3A_111] : memref<2x128xi32, #tpu.memory_space<vmem>> -> memref<1x128xi32, #tpu.memory_space<vmem>>
      %dma_start3A_113 = tpu.memref_squeeze %dma_start3A_112 : memref<1x128xi32, #tpu.memory_space<vmem>> -> memref<128xi32, #tpu.memory_space<vmem>>
      %dma_start3A_114 = tpu.memref_slice %arg3[%add3A_6] : memref<8192xi32, #tpu.memory_space<hbm>> -> memref<128xi32, #tpu.memory_space<hbm>>
      %dma_start3A_115 = arith.constant 0 : i32
      %dma_start3A_116 = tpu.memref_slice %arg5[%run_scoped3A_7, %dma_start3A_115] : memref<2x128xi32, #tpu.memory_space<vmem>> -> memref<1x128xi32, #tpu.memory_space<vmem>>
      %dma_start3A_117 = tpu.memref_squeeze %dma_start3A_116 : memref<1x128xi32, #tpu.memory_space<vmem>> -> memref<128xi32, #tpu.memory_space<vmem>>
      %dma_start3A_118 = tpu.memref_slice %arg3[%add3A_6] : memref<8192xi32, #tpu.memory_space<hbm>> -> memref<128xi32, #tpu.memory_space<hbm>>
      tpu.enqueue_dma source(%dma_start3A_118 : memref<128xi32, #tpu.memory_space<hbm>>) target(%dma_start3A_117 : memref<128xi32, #tpu.memory_space<vmem>>) target_semaphore(%run_scoped3A_110 : memref<!tpu.dma_semaphore, #tpu.memory_space<semaphore_mem>>)
      %dma_wait3A_119 = arith.constant 0 : i32
      %dma_wait3A_120 = tpu.memref_slice %arg5[%run_scoped3A_7, %dma_wait3A_119] : memref<2x128xi32, #tpu.memory_space<vmem>> -> memref<1x128xi32, #tpu.memory_space<vmem>>
      %dma_wait3A_121 = tpu.memref_squeeze %dma_wait3A_120 : memref<1x128xi32, #tpu.memory_space<vmem>> -> memref<128xi32, #tpu.memory_space<vmem>>
      %dma_wait3A_122 = tpu.memref_slice %arg3[%add3A_6] : memref<8192xi32, #tpu.memory_space<hbm>> -> memref<128xi32, #tpu.memory_space<hbm>>
      %dma_wait3A_123 = arith.constant 0 : i32
      %dma_wait3A_124 = tpu.memref_slice %arg5[%run_scoped3A_7, %dma_wait3A_123] : memref<2x128xi32, #tpu.memory_space<vmem>> -> memref<1x128xi32, #tpu.memory_space<vmem>>
      %dma_wait3A_125 = tpu.memref_squeeze %dma_wait3A_124 : memref<1x128xi32, #tpu.memory_space<vmem>> -> memref<128xi32, #tpu.memory_space<vmem>>
      %dma_wait3A_126 = tpu.memref_slice %arg3[%add3A_6] : memref<8192xi32, #tpu.memory_space<hbm>> -> memref<128xi32, #tpu.memory_space<hbm>>
      tpu.wait_dma2 semaphore(%run_scoped3A_110 : memref<!tpu.dma_semaphore, #tpu.memory_space<semaphore_mem>>) src(%dma_wait3A_126 : memref<128xi32, #tpu.memory_space<hbm>>) dst(%dma_wait3A_125 : memref<128xi32, #tpu.memory_space<vmem>>)
      tpu.yield
    }) : () -> ()
    %dma_start3A = arith.constant 0 : i32
    %dma_start3A_8 = arith.constant 0 : i32
    %dma_start3A_9 = arith.constant 0 : i32
    %dma_start3A_10 = arith.constant 0 : i32
    %dma_start3A_11 = tpu.memref_slice %arg6[%dma_start3A_8, %dma_start3A_9, %dma_start3A_10] : memref<2x128x256xf32, #tpu.memory_space<vmem>> -> memref<1x128x256xf32, #tpu.memory_space<vmem>>
    %dma_start3A_12 = tpu.memref_squeeze %dma_start3A_11 : memref<1x128x256xf32, #tpu.memory_space<vmem>> -> memref<128x256xf32, #tpu.memory_space<vmem>>
    %dma_start3A_13 = arith.constant 0 : i32
    %dma_start3A_14 = tpu.memref_slice %arg5[%dma_start3A, %dma_start3A_13] : memref<2x128xi32, #tpu.memory_space<vmem>> -> memref<1x128xi32, #tpu.memory_space<vmem>>
    %dma_start3A_15 = tpu.memref_squeeze %dma_start3A_14 : memref<1x128xi32, #tpu.memory_space<vmem>> -> memref<128xi32, #tpu.memory_space<vmem>>
    %dma_start3A_16 = arith.constant 0 : i32
    %dma_start3A_17 = arith.constant 0 : i32
    %dma_start3A_18 = tpu.memref_slice %arg2[%dma_start3A_16, %dma_start3A_17] : memref<1024x256xf32, #tpu.memory_space<hbm>> -> memref<1024x256xf32, #tpu.memory_space<hbm>>
    tpu.enqueue_indirect_dma source(%dma_start3A_18 : memref<1024x256xf32, #tpu.memory_space<hbm>>) target(%dma_start3A_12 : memref<128x256xf32, #tpu.memory_space<vmem>>) offsets(%dma_start3A_15 : memref<128xi32, #tpu.memory_space<vmem>>) semaphore(%arg7 : memref<!tpu.dma_semaphore, #tpu.memory_space<semaphore_mem>>)
    %dma_start3A_19 = arith.constant 1 : i32
    %dma_start3A_20 = arith.constant 1 : i32
    %dma_start3A_21 = arith.constant 0 : i32
    %dma_start3A_22 = arith.constant 0 : i32
    %dma_start3A_23 = tpu.memref_slice %arg6[%dma_start3A_20, %dma_start3A_21, %dma_start3A_22] : memref<2x128x256xf32, #tpu.memory_space<vmem>> -> memref<1x128x256xf32, #tpu.memory_space<vmem>>
    %dma_start3A_24 = tpu.memref_squeeze %dma_start3A_23 : memref<1x128x256xf32, #tpu.memory_space<vmem>> -> memref<128x256xf32, #tpu.memory_space<vmem>>
    %dma_start3A_25 = arith.constant 0 : i32
    %dma_start3A_26 = tpu.memref_slice %arg5[%dma_start3A_19, %dma_start3A_25] : memref<2x128xi32, #tpu.memory_space<vmem>> -> memref<1x128xi32, #tpu.memory_space<vmem>>
    %dma_start3A_27 = tpu.memref_squeeze %dma_start3A_26 : memref<1x128xi32, #tpu.memory_space<vmem>> -> memref<128xi32, #tpu.memory_space<vmem>>
    %dma_start3A_28 = arith.constant 0 : i32
    %dma_start3A_29 = arith.constant 0 : i32
    %dma_start3A_30 = tpu.memref_slice %arg2[%dma_start3A_28, %dma_start3A_29] : memref<1024x256xf32, #tpu.memory_space<hbm>> -> memref<1024x256xf32, #tpu.memory_space<hbm>>
    tpu.enqueue_indirect_dma source(%dma_start3A_30 : memref<1024x256xf32, #tpu.memory_space<hbm>>) target(%dma_start3A_24 : memref<128x256xf32, #tpu.memory_space<vmem>>) offsets(%dma_start3A_27 : memref<128xi32, #tpu.memory_space<vmem>>) semaphore(%arg7 : memref<!tpu.dma_semaphore, #tpu.memory_space<semaphore_mem>>)
    %dma_wait3A = arith.constant 0 : i32
    %dma_wait3A_31 = arith.constant 0 : i32
    %dma_wait3A_32 = arith.constant 0 : i32
    %dma_wait3A_33 = arith.constant 0 : i32
    %dma_wait3A_34 = tpu.memref_slice %arg6[%dma_wait3A_31, %dma_wait3A_32, %dma_wait3A_33] : memref<2x128x256xf32, #tpu.memory_space<vmem>> -> memref<1x128x256xf32, #tpu.memory_space<vmem>>
    %dma_wait3A_35 = tpu.memref_squeeze %dma_wait3A_34 : memref<1x128x256xf32, #tpu.memory_space<vmem>> -> memref<128x256xf32, #tpu.memory_space<vmem>>
    %dma_wait3A_36 = arith.constant 0 : i32
    %dma_wait3A_37 = tpu.memref_slice %arg5[%dma_wait3A, %dma_wait3A_36] : memref<2x128xi32, #tpu.memory_space<vmem>> -> memref<1x128xi32, #tpu.memory_space<vmem>>
    %dma_wait3A_38 = tpu.memref_squeeze %dma_wait3A_37 : memref<1x128xi32, #tpu.memory_space<vmem>> -> memref<128xi32, #tpu.memory_space<vmem>>
    %dma_wait3A_39 = arith.constant 0 : i32
    %dma_wait3A_40 = arith.constant 0 : i32
    %dma_wait3A_41 = tpu.memref_slice %arg2[%dma_wait3A_39, %dma_wait3A_40] : memref<1024x256xf32, #tpu.memory_space<hbm>> -> memref<1024x256xf32, #tpu.memory_space<hbm>>
    tpu.wait_indirect_dma semaphore(%arg7 : memref<!tpu.dma_semaphore, #tpu.memory_space<semaphore_mem>>) src(%dma_wait3A_41 : memref<1024x256xf32, #tpu.memory_space<hbm>>) dst(%dma_wait3A_35 : memref<128x256xf32, #tpu.memory_space<vmem>>)
    %add3A_42 = arith.constant 0 : i32
    %add3A_43 = arith.addi %mul3A_2, %add3A_42 : i32
    %dma_start3A_44 = arith.constant 0 : i32
    %dma_start3A_45 = arith.constant 0 : i32
    %dma_start3A_46 = arith.constant 0 : i32
    %dma_start3A_47 = tpu.memref_slice %arg6[%dma_start3A_44, %dma_start3A_45, %dma_start3A_46] : memref<2x128x256xf32, #tpu.memory_space<vmem>> -> memref<1x128x256xf32, #tpu.memory_space<vmem>>
    %dma_start3A_48 = tpu.memref_squeeze %dma_start3A_47 : memref<1x128x256xf32, #tpu.memory_space<vmem>> -> memref<128x256xf32, #tpu.memory_space<vmem>>
    %dma_start3A_49 = arith.constant 0 : i32
    %dma_start3A_50 = tpu.memref_slice %arg4[%add3A_43, %dma_start3A_49] : memref<8192x256xf32, #tpu.memory_space<hbm>> -> memref<128x256xf32, #tpu.memory_space<hbm>>
    %dma_start3A_51 = arith.constant 0 : i32
    %dma_start3A_52 = tpu.memref_slice %arg4[%add3A_43, %dma_start3A_51] : memref<8192x256xf32, #tpu.memory_space<hbm>> -> memref<128x256xf32, #tpu.memory_space<hbm>>
    %dma_start3A_53 = arith.constant 0 : i32
    %dma_start3A_54 = arith.constant 0 : i32
    %dma_start3A_55 = tpu.memref_slice %arg6[%dma_start3A_44, %dma_start3A_53, %dma_start3A_54] : memref<2x128x256xf32, #tpu.memory_space<vmem>> -> memref<1x128x256xf32, #tpu.memory_space<vmem>>
    %dma_start3A_56 = tpu.memref_squeeze %dma_start3A_55 : memref<1x128x256xf32, #tpu.memory_space<vmem>> -> memref<128x256xf32, #tpu.memory_space<vmem>>
    tpu.enqueue_dma source(%dma_start3A_56 : memref<128x256xf32, #tpu.memory_space<vmem>>) target(%dma_start3A_52 : memref<128x256xf32, #tpu.memory_space<hbm>>) target_semaphore(%arg8 : memref<!tpu.dma_semaphore, #tpu.memory_space<semaphore_mem>>)
    %dma_wait3A_57 = arith.constant 1 : i32
    %dma_wait3A_58 = arith.constant 1 : i32
    %dma_wait3A_59 = arith.constant 0 : i32
    %dma_wait3A_60 = arith.constant 0 : i32
    %dma_wait3A_61 = tpu.memref_slice %arg6[%dma_wait3A_58, %dma_wait3A_59, %dma_wait3A_60] : memref<2x128x256xf32, #tpu.memory_space<vmem>> -> memref<1x128x256xf32, #tpu.memory_space<vmem>>
    %dma_wait3A_62 = tpu.memref_squeeze %dma_wait3A_61 : memref<1x128x256xf32, #tpu.memory_space<vmem>> -> memref<128x256xf32, #tpu.memory_space<vmem>>
    %dma_wait3A_63 = arith.constant 0 : i32
    %dma_wait3A_64 = tpu.memref_slice %arg5[%dma_wait3A_57, %dma_wait3A_63] : memref<2x128xi32, #tpu.memory_space<vmem>> -> memref<1x128xi32, #tpu.memory_space<vmem>>
    %dma_wait3A_65 = tpu.memref_squeeze %dma_wait3A_64 : memref<1x128xi32, #tpu.memory_space<vmem>> -> memref<128xi32, #tpu.memory_space<vmem>>
    %dma_wait3A_66 = arith.constant 0 : i32
    %dma_wait3A_67 = arith.constant 0 : i32
    %dma_wait3A_68 = tpu.memref_slice %arg2[%dma_wait3A_66, %dma_wait3A_67] : memref<1024x256xf32, #tpu.memory_space<hbm>> -> memref<1024x256xf32, #tpu.memory_space<hbm>>
    tpu.wait_indirect_dma semaphore(%arg7 : memref<!tpu.dma_semaphore, #tpu.memory_space<semaphore_mem>>) src(%dma_wait3A_68 : memref<1024x256xf32, #tpu.memory_space<hbm>>) dst(%dma_wait3A_62 : memref<128x256xf32, #tpu.memory_space<vmem>>)
    %add3A_69 = arith.constant 128 : i32
    %add3A_70 = arith.addi %mul3A_2, %add3A_69 : i32
    %dma_start3A_71 = arith.constant 1 : i32
    %dma_start3A_72 = arith.constant 0 : i32
    %dma_start3A_73 = arith.constant 0 : i32
    %dma_start3A_74 = tpu.memref_slice %arg6[%dma_start3A_71, %dma_start3A_72, %dma_start3A_73] : memref<2x128x256xf32, #tpu.memory_space<vmem>> -> memref<1x128x256xf32, #tpu.memory_space<vmem>>
    %dma_start3A_75 = tpu.memref_squeeze %dma_start3A_74 : memref<1x128x256xf32, #tpu.memory_space<vmem>> -> memref<128x256xf32, #tpu.memory_space<vmem>>
    %dma_start3A_76 = arith.constant 0 : i32
    %dma_start3A_77 = tpu.memref_slice %arg4[%add3A_70, %dma_start3A_76] : memref<8192x256xf32, #tpu.memory_space<hbm>> -> memref<128x256xf32, #tpu.memory_space<hbm>>
    %dma_start3A_78 = arith.constant 0 : i32
    %dma_start3A_79 = tpu.memref_slice %arg4[%add3A_70, %dma_start3A_78] : memref<8192x256xf32, #tpu.memory_space<hbm>> -> memref<128x256xf32, #tpu.memory_space<hbm>>
    %dma_start3A_80 = arith.constant 0 : i32
    %dma_start3A_81 = arith.constant 0 : i32
    %dma_start3A_82 = tpu.memref_slice %arg6[%dma_start3A_71, %dma_start3A_80, %dma_start3A_81] : memref<2x128x256xf32, #tpu.memory_space<vmem>> -> memref<1x128x256xf32, #tpu.memory_space<vmem>>
    %dma_start3A_83 = tpu.memref_squeeze %dma_start3A_82 : memref<1x128x256xf32, #tpu.memory_space<vmem>> -> memref<128x256xf32, #tpu.memory_space<vmem>>
    tpu.enqueue_dma source(%dma_start3A_83 : memref<128x256xf32, #tpu.memory_space<vmem>>) target(%dma_start3A_79 : memref<128x256xf32, #tpu.memory_space<hbm>>) target_semaphore(%arg8 : memref<!tpu.dma_semaphore, #tpu.memory_space<semaphore_mem>>)
    %dma_wait3A_84 = arith.constant 0 : i32
    %dma_wait3A_85 = arith.constant 0 : i32
    %dma_wait3A_86 = arith.constant 0 : i32
    %dma_wait3A_87 = tpu.memref_slice %arg6[%dma_wait3A_84, %dma_wait3A_85, %dma_wait3A_86] : memref<2x128x256xf32, #tpu.memory_space<vmem>> -> memref<1x128x256xf32, #tpu.memory_space<vmem>>
    %dma_wait3A_88 = tpu.memref_squeeze %dma_wait3A_87 : memref<1x128x256xf32, #tpu.memory_space<vmem>> -> memref<128x256xf32, #tpu.memory_space<vmem>>
    %dma_wait3A_89 = arith.constant 0 : i32
    %dma_wait3A_90 = tpu.memref_slice %arg4[%add3A_43, %dma_wait3A_89] : memref<8192x256xf32, #tpu.memory_space<hbm>> -> memref<128x256xf32, #tpu.memory_space<hbm>>
    %dma_wait3A_91 = arith.constant 0 : i32
    %dma_wait3A_92 = tpu.memref_slice %arg4[%add3A_43, %dma_wait3A_91] : memref<8192x256xf32, #tpu.memory_space<hbm>> -> memref<128x256xf32, #tpu.memory_space<hbm>>
    %dma_wait3A_93 = arith.constant 0 : i32
    %dma_wait3A_94 = arith.constant 0 : i32
    %dma_wait3A_95 = tpu.memref_slice %arg6[%dma_wait3A_84, %dma_wait3A_93, %dma_wait3A_94] : memref<2x128x256xf32, #tpu.memory_space<vmem>> -> memref<1x128x256xf32, #tpu.memory_space<vmem>>
    %dma_wait3A_96 = tpu.memref_squeeze %dma_wait3A_95 : memref<1x128x256xf32, #tpu.memory_space<vmem>> -> memref<128x256xf32, #tpu.memory_space<vmem>>
    tpu.wait_dma2 semaphore(%arg8 : memref<!tpu.dma_semaphore, #tpu.memory_space<semaphore_mem>>) src(%dma_wait3A_96 : memref<128x256xf32, #tpu.memory_space<vmem>>) dst(%dma_wait3A_92 : memref<128x256xf32, #tpu.memory_space<hbm>>)
    %dma_wait3A_97 = arith.constant 1 : i32
    %dma_wait3A_98 = arith.constant 0 : i32
    %dma_wait3A_99 = arith.constant 0 : i32
    %dma_wait3A_100 = tpu.memref_slice %arg6[%dma_wait3A_97, %dma_wait3A_98, %dma_wait3A_99] : memref<2x128x256xf32, #tpu.memory_space<vmem>> -> memref<1x128x256xf32, #tpu.memory_space<vmem>>
    %dma_wait3A_101 = tpu.memref_squeeze %dma_wait3A_100 : memref<1x128x256xf32, #tpu.memory_space<vmem>> -> memref<128x256xf32, #tpu.memory_space<vmem>>
    %dma_wait3A_102 = arith.constant 0 : i32
    %dma_wait3A_103 = tpu.memref_slice %arg4[%add3A_70, %dma_wait3A_102] : memref<8192x256xf32, #tpu.memory_space<hbm>> -> memref<128x256xf32, #tpu.memory_space<hbm>>
    %dma_wait3A_104 = arith.constant 0 : i32
    %dma_wait3A_105 = tpu.memref_slice %arg4[%add3A_70, %dma_wait3A_104] : memref<8192x256xf32, #tpu.memory_space<hbm>> -> memref<128x256xf32, #tpu.memory_space<hbm>>
    %dma_wait3A_106 = arith.constant 0 : i32
    %dma_wait3A_107 = arith.constant 0 : i32
    %dma_wait3A_108 = tpu.memref_slice %arg6[%dma_wait3A_97, %dma_wait3A_106, %dma_wait3A_107] : memref<2x128x256xf32, #tpu.memory_space<vmem>> -> memref<1x128x256xf32, #tpu.memory_space<vmem>>
    %dma_wait3A_109 = tpu.memref_squeeze %dma_wait3A_108 : memref<1x128x256xf32, #tpu.memory_space<vmem>> -> memref<128x256xf32, #tpu.memory_space<vmem>>
    tpu.wait_dma2 semaphore(%arg8 : memref<!tpu.dma_semaphore, #tpu.memory_space<semaphore_mem>>) src(%dma_wait3A_109 : memref<128x256xf32, #tpu.memory_space<vmem>>) dst(%dma_wait3A_105 : memref<128x256xf32, #tpu.memory_space<hbm>>)
    return
  }
}

module attributes {stable_mosaic.version = 14 : i64} {
  func.func @_vq_body(%arg0: i32, %arg1: memref<2048x256xf32, #tpu.memory_space<vmem>>, %arg2: memref<1024x256xf32, #tpu.memory_space<vmem>>, %arg3: memref<2048x1024xf32, #tpu.memory_space<vmem>>, %arg4: memref<1x1x2048xi32, #tpu.memory_space<vmem>>, %arg5: memref<1x1024xf32, #tpu.memory_space<vmem>>, %arg6: memref<1x1xf32, #tpu.memory_space<vmem>>, %arg7: memref<1x1024xf32, #tpu.memory_space<vmem>>) attributes {dimension_semantics = [#tpu.dimension_semantics<arbitrary>], iteration_bounds = array<i64: 4>, scalar_prefetch = 0 : i64, scratch_operands = 1 : i64, tpu.core_type = #tpu.core_type<tc>, window_params = [{transform_indices = @transform_0, window_bounds = array<i64: 2048, 256>}, {pipeline_mode = #tpu.pipeline_mode<synchronous>, transform_indices = @transform_1, window_bounds = array<i64: 1024, 256>}, {transform_indices = @transform_2, window_bounds = array<i64: 2048, 1024>}, {transform_indices = @transform_3, window_bounds = array<i64: 1, 1, 2048>}, {pipeline_mode = #tpu.pipeline_mode<synchronous>, transform_indices = @transform_4, window_bounds = array<i64: 1, 1024>}, {pipeline_mode = #tpu.pipeline_mode<synchronous>, transform_indices = @transform_5, window_bounds = array<i64: 1, 1>}]} {
    %get3A = arith.constant 0 : index
    %get3A_0 = arith.constant 0 : index
    %get3A_1 = vector.load %arg1[%get3A, %get3A_0] : memref<2048x256xf32, #tpu.memory_space<vmem>>, vector<2048x256xf32>
    %get3A_2 = arith.constant 0 : index
    %get3A_3 = arith.constant 0 : index
    %get3A_4 = vector.load %arg2[%get3A_2, %get3A_3] : memref<1024x256xf32, #tpu.memory_space<vmem>>, vector<1024x256xf32>
    %eq3A = arith.constant 0 : i32
    %eq3A_5 = arith.cmpi eq, %arg0, %eq3A : i32
    %convert_element_type3A = arith.extui %eq3A_5 : i1 to i32
    %cond3A = arith.constant 0 : i32
    %cond3A_6 = arith.cmpi ne, %convert_element_type3A, %cond3A : i32
    scf.if %cond3A_6 {
      %mul3A_55 = arith.mulf %get3A_4, %get3A_4 : vector<1024x256xf32>
      %reduce_sum3A_56 = arith.constant dense<0.000000e+00> : vector<1024xf32>
      %reduce_sum3A_57 = vector.multi_reduction <add>, %mul3A_55, %reduce_sum3A_56 [1] : vector<1024x256xf32> to vector<1024xf32>
      %broadcast_in_dim3A_58 = vector.shape_cast %reduce_sum3A_57 : vector<1024xf32> to vector<1024x1xf32>
      %reshape3A_59 = vector.shape_cast %broadcast_in_dim3A_58 : vector<1024x1xf32> to vector<1x1024xf32>
      %swap3A_60 = arith.constant 0 : index
      %swap3A_61 = arith.constant 0 : index
      %swap3A_62 = vector.load %arg7[%swap3A_60, %swap3A_61] : memref<1x1024xf32, #tpu.memory_space<vmem>>, vector<1x1024xf32>
      tpu.vector_store %arg7[%swap3A_60, %swap3A_61], %reshape3A_59 {strides = array<i32>} : memref<1x1024xf32, #tpu.memory_space<vmem>>, vector<1x1024xf32>,
    } else {
    }
    %dot_general3A = arith.constant dense<0.000000e+00> : vector<2048x1024xf32>
    %dot_general3A_7 = tpu.matmul %get3A_1, %get3A_4, %dot_general3A {dimension_numbers = #tpu.dot_dimension_numbers<[1], [1], [0], [0], [0, 0, 1, 0], [], []>, transpose_lhs_hint = false} : vector<2048x256xf32>, vector<1024x256xf32>, vector<2048x1024xf32> -> vector<2048x1024xf32>
    %mul3A = arith.mulf %get3A_1, %get3A_1 : vector<2048x256xf32>
    %reduce_sum3A = arith.constant dense<0.000000e+00> : vector<2048xf32>
    %reduce_sum3A_8 = vector.multi_reduction <add>, %mul3A, %reduce_sum3A [1] : vector<2048x256xf32> to vector<2048xf32>
    %broadcast_in_dim3A = vector.shape_cast %reduce_sum3A_8 : vector<2048xf32> to vector<2048x1xf32>
    %get3A_9 = arith.constant 0 : index
    %get3A_10 = arith.constant 0 : index
    %get3A_11 = vector.load %arg7[%get3A_9, %get3A_10] : memref<1x1024xf32, #tpu.memory_space<vmem>>, vector<1x1024xf32>
    %add3A = vector.broadcast %broadcast_in_dim3A : vector<2048x1xf32> to vector<2048x1024xf32>
    %add3A_12 = vector.broadcast %get3A_11 : vector<1x1024xf32> to vector<2048x1024xf32>
    %add3A_13 = arith.addf %add3A, %add3A_12 : vector<2048x1024xf32>
    %mul3A_14 = arith.constant 2.000000e+00 : f32
    %mul3A_15 = vector.broadcast %mul3A_14 : f32 to vector<2048x1024xf32>
    %mul3A_16 = arith.mulf %mul3A_15, %dot_general3A_7 : vector<2048x1024xf32>
    %sub3A = arith.subf %add3A_13, %mul3A_16 : vector<2048x1024xf32>
    %reduce_min3A = arith.constant dense<0x7F800000> : vector<2048xf32>
    %reduce_min3A_17 = vector.multi_reduction <minimumf>, %sub3A, %reduce_min3A [1] : vector<2048x1024xf32> to vector<2048xf32>
    %broadcast_in_dim3A_18 = vector.shape_cast %reduce_min3A_17 : vector<2048xf32> to vector<2048x1xf32>
    %iota3A = tpu.iota {dimensions = array<i32: 1>} : vector<2048x1024xi32>
    %eq3A_19 = vector.broadcast %broadcast_in_dim3A_18 : vector<2048x1xf32> to vector<2048x1024xf32>
    %eq3A_20 = arith.cmpf oeq, %sub3A, %eq3A_19 : vector<2048x1024xf32>
    %jit3A = arith.constant 1024 : i32
    %broadcast_in_dim3A_21 = vector.broadcast %jit3A : i32 to vector<2048x1024xi32>
    %select_n3A = arith.select %eq3A_20, %iota3A, %broadcast_in_dim3A_21 : vector<2048x1024xi1>, vector<2048x1024xi32>
    %reduce_min3A_22 = arith.constant dense<2147483647> : vector<2048xi32>
    %reduce_min3A_23 = vector.multi_reduction <minsi>, %select_n3A, %reduce_min3A_22 [1] : vector<2048x1024xi32> to vector<2048xi32>
    %broadcast_in_dim3A_24 = vector.shape_cast %reduce_min3A_23 : vector<2048xi32> to vector<2048x1xi32>
    %eq3A_25 = vector.broadcast %broadcast_in_dim3A_24 : vector<2048x1xi32> to vector<2048x1024xi32>
    %eq3A_26 = arith.cmpi eq, %iota3A, %eq3A_25 : vector<2048x1024xi32>
    %convert_element_type3A_27 = arith.extui %eq3A_26 : vector<2048x1024xi1> to vector<2048x1024xi32>
    %convert_element_type3A_28 = arith.sitofp %convert_element_type3A_27 : vector<2048x1024xi32> to vector<2048x1024xf32>
    %swap3A = arith.constant 0 : index
    %swap3A_29 = arith.constant 0 : index
    %swap3A_30 = vector.load %arg3[%swap3A, %swap3A_29] : memref<2048x1024xf32, #tpu.memory_space<vmem>>, vector<2048x1024xf32>
    tpu.vector_store %arg3[%swap3A, %swap3A_29], %convert_element_type3A_28 {strides = array<i32>} : memref<2048x1024xf32, #tpu.memory_space<vmem>>, vector<2048x1024xf32>,
    %convert_element_type3A_31 = arith.sitofp %broadcast_in_dim3A_24 : vector<2048x1xi32> to vector<2048x1xf32>
    %transpose3A = tpu.transpose %convert_element_type3A_31, [1, 0] : vector<2048x1xf32> -> vector<1x2048xf32>
    %convert_element_type3A_32 = arith.fptosi %transpose3A : vector<1x2048xf32> to vector<1x2048xi32>
    %reshape3A = vector.shape_cast %convert_element_type3A_32 : vector<1x2048xi32> to vector<1x1x2048xi32>
    %swap3A_33 = arith.constant 0 : index
    %swap3A_34 = arith.constant 0 : index
    %swap3A_35 = arith.constant 0 : index
    %swap3A_36 = vector.load %arg4[%swap3A_33, %swap3A_34, %swap3A_35] : memref<1x1x2048xi32, #tpu.memory_space<vmem>>, vector<1x1x2048xi32>
    tpu.vector_store %arg4[%swap3A_33, %swap3A_34, %swap3A_35], %reshape3A {strides = array<i32>} : memref<1x1x2048xi32, #tpu.memory_space<vmem>>, vector<1x1x2048xi32>,
    %reduce_sum3A_37 = arith.constant dense<0.000000e+00> : vector<1024xf32>
    %reduce_sum3A_38 = vector.multi_reduction <add>, %convert_element_type3A_28, %reduce_sum3A_37 [0] : vector<2048x1024xf32> to vector<1024xf32>
    %broadcast_in_dim3A_39 = vector.shape_cast %reduce_sum3A_38 : vector<1024xf32> to vector<1x1024xf32>
    %reduce_sum3A_40 = vector.shape_cast %broadcast_in_dim3A_18 : vector<2048x1xf32> to vector<1x2048x1xf32>
    %reduce_sum3A_41 = arith.constant dense<0.000000e+00> : vector<1xf32>
    %reduce_sum3A_42 = vector.multi_reduction <add>, %reduce_sum3A_40, %reduce_sum3A_41 [1, 2] : vector<1x2048x1xf32> to vector<1xf32>
    %reduce_sum3A_43 = vector.shape_cast %reduce_sum3A_42 : vector<1xf32> to vector<1x1x1xf32>
    %reduce_sum3A_44 = vector.extract %reduce_sum3A_43[0, 0, 0] : f32 from vector<1x1x1xf32>
    %reshape3A_45 = vector.broadcast %reduce_sum3A_44 : f32 to vector<1x1xf32>
    %eq3A_46 = arith.constant 0 : i32
    %eq3A_47 = arith.cmpi eq, %arg0, %eq3A_46 : i32
    %convert_element_type3A_48 = arith.extui %eq3A_47 : i1 to i32
    %cond3A_49 = arith.constant 0 : i32
    %cond3A_50 = arith.cmpi ne, %convert_element_type3A_48, %cond3A_49 : i32
    scf.if %cond3A_50 {
      %swap3A_55 = arith.constant 0 : index
      %swap3A_56 = arith.constant 0 : index
      %swap3A_57 = vector.load %arg5[%swap3A_55, %swap3A_56] : memref<1x1024xf32, #tpu.memory_space<vmem>>, vector<1x1024xf32>
      tpu.vector_store %arg5[%swap3A_55, %swap3A_56], %broadcast_in_dim3A_39 {strides = array<i32>} : memref<1x1024xf32, #tpu.memory_space<vmem>>, vector<1x1024xf32>,
      %swap3A_58 = arith.constant 0 : index
      %swap3A_59 = arith.constant 0 : index
      %swap3A_60 = vector.load %arg6[%swap3A_58, %swap3A_59] : memref<1x1xf32, #tpu.memory_space<vmem>>, vector<1x1xf32>
      tpu.vector_store %arg6[%swap3A_58, %swap3A_59], %reshape3A_45 {strides = array<i32>} : memref<1x1xf32, #tpu.memory_space<vmem>>, vector<1x1xf32>,
    } else {
    }
    %ne3A = arith.constant 0 : i32
    %ne3A_51 = arith.cmpi ne, %arg0, %ne3A : i32
    %convert_element_type3A_52 = arith.extui %ne3A_51 : i1 to i32
    %cond3A_53 = arith.constant 0 : i32
    %cond3A_54 = arith.cmpi ne, %convert_element_type3A_52, %cond3A_53 : i32
    scf.if %cond3A_54 {
      %get3A_55 = arith.constant 0 : index
      %get3A_56 = arith.constant 0 : index
      %get3A_57 = vector.load %arg5[%get3A_55, %get3A_56] : memref<1x1024xf32, #tpu.memory_space<vmem>>, vector<1x1024xf32>
      %add3A_58 = arith.addf %get3A_57, %broadcast_in_dim3A_39 : vector<1x1024xf32>
      %swap3A_59 = arith.constant 0 : index
      %swap3A_60 = arith.constant 0 : index
      %swap3A_61 = vector.load %arg5[%swap3A_59, %swap3A_60] : memref<1x1024xf32, #tpu.memory_space<vmem>>, vector<1x1024xf32>
      tpu.vector_store %arg5[%swap3A_59, %swap3A_60], %add3A_58 {strides = array<i32>} : memref<1x1024xf32, #tpu.memory_space<vmem>>, vector<1x1024xf32>,
      %get3A_62 = arith.constant 0 : index
      %get3A_63 = arith.constant 0 : index
      %get3A_64 = vector.load %arg6[%get3A_62, %get3A_63] : memref<1x1xf32, #tpu.memory_space<vmem>>, vector<1x1xf32>
      %add3A_65 = arith.addf %get3A_64, %reshape3A_45 : vector<1x1xf32>
      %swap3A_66 = arith.constant 0 : index
      %swap3A_67 = arith.constant 0 : index
      %swap3A_68 = vector.load %arg6[%swap3A_66, %swap3A_67] : memref<1x1xf32, #tpu.memory_space<vmem>>, vector<1x1xf32>
      tpu.vector_store %arg6[%swap3A_66, %swap3A_67], %add3A_65 {strides = array<i32>} : memref<1x1xf32, #tpu.memory_space<vmem>>, vector<1x1xf32>,
    } else {
    }
    return
  }
  func.func @transform_0(%arg0: i32) -> (i32, i32) {
    %c0_i32 = arith.constant 0 : i32
    %c0_i32_0 = arith.constant 0 : i32
    return %arg0, %c0_i32 : i32, i32
  }
  func.func @transform_1(%arg0: i32) -> (i32, i32) {
    %c0_i32 = arith.constant 0 : i32
    %c0_i32_0 = arith.constant 0 : i32
    %c0_i32_1 = arith.constant 0 : i32
    return %c0_i32, %c0_i32_0 : i32, i32
  }
  func.func @transform_2(%arg0: i32) -> (i32, i32) {
    %c0_i32 = arith.constant 0 : i32
    %c0_i32_0 = arith.constant 0 : i32
    return %arg0, %c0_i32 : i32, i32
  }
  func.func @transform_3(%arg0: i32) -> (i32, i32, i32) {
    %c0_i32 = arith.constant 0 : i32
    %c0_i32_0 = arith.constant 0 : i32
    %c0_i32_1 = arith.constant 0 : i32
    return %arg0, %c0_i32, %c0_i32_0 : i32, i32, i32
  }
  func.func @transform_4(%arg0: i32) -> (i32, i32) {
    %c0_i32 = arith.constant 0 : i32
    %c0_i32_0 = arith.constant 0 : i32
    %c0_i32_1 = arith.constant 0 : i32
    return %c0_i32, %c0_i32_0 : i32, i32
  }
  func.func @transform_5(%arg0: i32) -> (i32, i32) {
    %c0_i32 = arith.constant 0 : i32
    %c0_i32_0 = arith.constant 0 : i32
    %c0_i32_1 = arith.constant 0 : i32
    return %c0_i32, %c0_i32_0 : i32, i32
  }
}

</mosaic_0001>

<sc_bundles>
// kernel: kernel.4.cloned.1.call-start
scs
__scs_entry_jumppad:
0x0: {  	(pc) =	sbr.rel $0x88, $3  }
0x1: {  	(tag) =	ssettag $0x0;
	lr =	simm.s32 $0x1  }
0x2: {  	[smem:$0x3F9F] =	sst lr;
	_ =	strace $0xD0000000  }
0x3: {  	_ = 	snop  }
0x4: {  	_ = 	snop  }
0x5: {  	_ = 	snop  }
0x6: {  	_ = 	snop  }
0x7: {  	_ = 	snop  }
__scs_overlays_trampoline_lowered:
0x8: {  	[smem:$0x3FAE] =	sst s0  }
0x9: {  	[smem:$0x3FAF] =	sst s1  }
0xa: {  	[smem:$0x3FB0] =	sst s2  }
0xb: {  	[smem:$0x3FB1] =	sst s3  }
0xc: {  	[smem:$0x3FB2] =	sst s4  }
0xd: {  	[smem:$0x3FB3] =	sst s5  }
0xe: {  	[smem:$0x3FB4] =	sst s6  }
0xf: {  	[smem:$0x3FB5] =	sst s7  }
0x10: {  	[smem:$0x3FB6] =	sst s8  }
0x11: {  	[smem:$0x3FB7] =	sst s9;
	s0 =	simm.s32 @!p0 $0x0  }
0x12: {  	s1 =	sld [smem:$0x3F9D];
	s0 =	simm.s32 @p0 $0x1  }
0x13: {  	[smem:$0x3FB8] =	sst s0;
	s0 =	simm.s32 @!p1 $0x0  }
0x14: {  	s2 =	sld [smem:$0x3F9C];
	s0 =	simm.s32 @p1 $0x1  }
0x15: {  	[smem:$0x3FB9] =	sst s0;
	s0 =	simm.s32 @!p2 $0x0  }
0x16: {  	s3 =	sld [smem:$0x3FDB];
	s0 =	simm.s32 @p2 $0x1  }
0x17: {  	s4 =	simm.s32 $0x1BF5;
	[smem:$0x3FBB] =	sst s0  }
0x18: {  	s0 =	sld [smem:$0x3F9E];
	_ =	swait.ge [sflag:s4], $0x0  }
0x19: {  	s7 =	sld [smem:$0x3F9F]  }
0x1a: {  	s8 =	sadd.s32 $0xFFFFE003, lr  }
0x1b: {  	s9 =	sadd.s32 $0xFFFFFEF7, lr;
	s5 =	simm.s32 $0xFFFFFFFF;
	p2 =	slt.u32 s8, $0xFFFFF086  }
0x1c: {  	p1 =	slt.u32 s9, $0xF7A;
	s5 =	simm.s32 @!p2 $0x0  }
0x1d: {  	s5 =	simm.s32 @p1 $0x1;
	p0 =	seq.s32 s7, s2  }
0x1e: {  	s7 =	smul.u32 @!p0 $0xF7A, s2;
	p2 =	seq.s32 @!p0 s5, $0x0  }
0x1f: {  	s9 =	smul.u32 $0xF7A, s1;
	s8 =	simm.s32 @!p0 $0x1BF5;
	p2 =	por !p2, p0  }
0x20: {  	[sflag:s8] =	ssyncset.s32 @!p0 $0xFFFFF086;
	s6 =	sadd.s32 @!p0 s3, s7;
	s7 =	simm.s32 @!p0 $0x108  }
0x21: {  	s3 =	sadd.s32 s3, s9;
	s6 =	sadd.s32 @!p0 $0x88, s6;
	s7 =	simm.s32 @p2 $0x1082  }
0x22: {  	[simem:s7], [sflag:s8] =	dma.local @!p0 [hbm:s6], $0xF7A  }
0x23: {  	s9 =	sor.u32 $0xD0000000, s2;
	s6 =	simm.s32 $0x108;
	_ =	swait.ge @!p0 [sflag:s8], $0x0  }
0x24: {  	s3 =	sadd.s32 $0x88, s3;
	s6 =	simm.s32 @!p1 $0x1082;
	[sflag:s4] =	ssyncset.s32 $0xFFFFF086  }
0x25: {  	[simem:s6], [sflag:s4] =	dma.local [hbm:s3], $0xF7A  }
0x26: {  	[smem:$0x3F9F] =	sst s1;
	(tag) =	ssettag s2;
	_ =	strace s9  }
0x27: {  	s1 =	sld [smem:$0x3FAF]  }
0x28: {  	s2 =	sld [smem:$0x3FB0]  }
0x29: {  	s4 =	sld [smem:$0x3FB2]  }
0x2a: {  	p0 =	seq.s32 s5, $0x0;
	s5 =	sld [smem:$0x3FB3]  }
0x2b: {  	s6 =	sld [smem:$0x3FB4]  }
0x2c: {  	s7 =	sld [smem:$0x3FB5]  }
0x2d: {  	s3 =	simm.s32 $0x108;
	s8 =	sld [smem:$0x3FB6]  }
0x2e: {  	s3 =	simm.s32 @!p0 $0x1082;
	s9 =	sld [smem:$0x3FB7]  }
0x2f: {  	lr =	sadd.s32 s0, s3;
	s0 =	sld [smem:$0x3FAE]  }
0x30: {  	s3 =	sld [smem:$0x3FB1]  }
0x31: {  	[smem:$0x3FBA] =	sst s10  }
0x32: {  	s10 =	sld [smem:$0x3FB8];
	_ =	sdelay $0x3  }
0x33: {  	p0 =	seq.s32 s10, $0x1;
	s10 =	sld [smem:$0x3FBA];
	_ =	sdelay $0x3  }
0x34: {  	[smem:$0x3FBA] =	sst s10  }
0x35: {  	s10 =	sld [smem:$0x3FB9];
	_ =	sdelay $0x3  }
0x36: {  	p1 =	seq.s32 s10, $0x1;
	s10 =	sld [smem:$0x3FBA];
	_ =	sdelay $0x3  }
0x37: {  	[smem:$0x3FBA] =	sst s10  }
0x38: {  	s10 =	sld [smem:$0x3FBB]  }
0x39: {  	_ = 	snop;
	(pc) =	sbr.ind lr, $3  }
0x3a: {  	_ = 	snop  }
0x3b: {  	_ = 	snop  }
0x3c: {  	p2 =	seq.s32 s10, $0x1;
	s10 =	sld [smem:$0x3FBA]  }
0x3d: {  	_ =	shalt  }
0x3e: {  	_ =	shalt  }
0x3f: {  	_ =	shalt  }
0x40: {  	_ =	shalt  }
0x41: {  	_ =	shalt  }
0x42: {  	_ =	shalt  }
0x43: {  	_ =	shalt  }
0x44: {  	_ =	shalt  }
0x45: {  	_ =	shalt  }
0x46: {  	_ =	shalt  }
0x47: {  	_ =	shalt  }
0x48: {  	_ =	shalt  }
0x49: {  	_ =	shalt  }
0x4a: {  	_ =	shalt  }
0x4b: {  	_ =	shalt  }
0x4c: {  	_ =	shalt  }
0x4d: {  	_ =	shalt  }
0x4e: {  	_ =	shalt  }
0x4f: {  	_ =	shalt  }
0x50: {  	_ =	shalt  }
0x51: {  	_ =	shalt  }
0x52: {  	_ =	shalt  }
0x53: {  	_ =	shalt  }
0x54: {  	_ =	shalt  }
0x55: {  	_ =	shalt  }
0x56: {  	_ =	shalt  }
0x57: {  	_ =	shalt  }
0x58: {  	_ =	shalt  }
0x59: {  	_ =	shalt  }
0x5a: {  	_ =	shalt  }
0x5b: {  	_ =	shalt  }
0x5c: {  	_ =	shalt  }
0x5d: {  	_ =	shalt  }
0x5e: {  	_ =	shalt  }
0x5f: {  	_ =	shalt  }
0x60: {  	_ =	shalt  }
0x61: {  	_ =	shalt  }
0x62: {  	_ =	shalt  }
0x63: {  	_ =	shalt  }
0x64: {  	_ =	shalt  }
0x65: {  	_ =	shalt  }
0x66: {  	_ =	shalt  }
0x67: {  	_ =	shalt  }
0x68: {  	_ =	shalt  }
0x69: {  	_ =	shalt  }
0x6a: {  	_ =	shalt  }
0x6b: {  	_ =	shalt  }
0x6c: {  	_ =	shalt  }
0x6d: {  	_ =	shalt  }
0x6e: {  	_ =	shalt  }
0x6f: {  	_ =	shalt  }
0x70: {  	_ =	shalt  }
0x71: {  	_ =	shalt  }
0x72: {  	_ =	shalt  }
0x73: {  	_ =	shalt  }
0x74: {  	_ =	shalt  }
0x75: {  	_ =	shalt  }
0x76: {  	_ =	shalt  }
0x77: {  	_ =	shalt  }
0x78: {  	_ =	shalt  }
0x79: {  	_ =	shalt  }
0x7a: {  	_ =	shalt  }
0x7b: {  	_ =	shalt  }
0x7c: {  	_ =	shalt  }
0x7d: {  	_ =	shalt  }
0x7e: {  	_ =	shalt  }
0x7f: {  	_ =	shalt  }
0x80: {  	_ =	shalt  }
0x81: {  	_ =	shalt  }
0x82: {  	_ =	shalt  }
0x83: {  	_ =	shalt  }
0x84: {  	_ =	shalt  }
0x85: {  	_ =	shalt  }
0x86: {  	_ =	shalt  }
0x87: {  	_ =	shalt  }
.Lfunc_end0:
.L_simem_size_0:
called_computation_lowered:
.L_overlay_start_0:
0x88: {  	s2 =	sld [smem:$0x3FD9]  }
0x89: {  	s3 =	sld [smem:$0x3FFE];
	_ =	sdelay $0x1  }
0x8a: {  	s1 =	srdreg.scid  }
0x8b: {  	s0 =	sand.u32 $0x1, s1  }
0x8c: {  	s15 =	sshll.u32 s0, $0xA;
	s2 =	sadd.s32 s3, s2  }
0x8d: {  	s2 =	sadd.s32 s2, s15  }
0x8e: {  	[smem:$0x3FC6] =	sst s2  }
0x8f: {  	_ = 	snop  }
0x90: {  	s2 =	sld [smem:$0x3FD0];
	_ =	sdelay $0x2  }
0x91: {  	s4 =	simm.s32 $0xA;
	s5 =	simm.s32 $0x10;
	s16 =	sld [smem:$0x3FC8]  }
0x92: {  	[smem:s5], [sflag:s4] =	dma.local [hbm:s2], $0x1  }
0x93: {  	_ =	swait.eq [sflag:s4], $0x1  }
0x94: {  	[sflag:s4] =	ssyncset.done $0x0  }
0x95: {  	s17 =	sld [smem:$0x11];
	[sflag:s4] =	ssyncadd.s32 $0xFFFFFFFF  }
0x96: {  	s18 =	sld [smem:$0x14];
	(tm) =	ssettm $0x1  }
0x97: {  	s19 =	sld [smem:$0x3FFB];
	_ =	sdelay $0x3  }
0x98: {  	_ =	strace s19  }
0x99: {  	s5 =	sld [smem:$0x3FFC];
	_ =	sdelay $0x3  }
0x9a: {  	_ =	strace s5  }
0x9b: {  	s5 =	sld [smem:$0x3FFD];
	_ =	sdelay $0x3  }
0x9c: {  	_ =	strace s5  }
0x9d: {  	_ =	strace $0x8FFFFFFF  }
0x9e: {  	s20 =	sld [smem:$0x3FDB];
	_ =	sdelay $0x1  }
0x9f: {  	s6 =	simm.s32 $_scs_section_size  }
0xa0: {  	s7 =	simm.s32 $_size__tile_overlayer_lowered;
	s8 =	simm.s32 $_tile_overlayer_lowered  }
0xa1: {  	s23 =	simm.s32 $0x1BFF;
	s22 =	sshll.u32 s8, $0x1;
	s5 =	sadd.s32 s6, s20  }
0xa2: {  	s9 =	simm.s32 $0x0;
	s21 =	sshll.u32 s7, $0x1;
	s7 =	sadd.s32 s22, s5  }
0xa3: {  	[timem:s9], [sflag:s23] =	dma.local [hbm:s7], s21  }
0xa4: {  	_ =	swait.ge [sflag:s23], s21  }
0xa5: {  	s6 =	ssub.s32 $0x0, s21;
	[sflag:s23] =	ssyncset.done $0x0  }
0xa6: {  	[sflag:s23] =	ssyncadd.s32 s6;
	_ =	sdelay $0x1  }
0xa7: {  	s24 =	simm.s32 $0x1B8B  }
0xa8: {  	_ =	swait.ge [sflag:s24], $0x1  }
0xa9: {  	[sflag:s24] =	ssyncset.done $0x0  }
0xaa: {  	s25 =	simm.s32 $0x1B8E;
	[sflag:s24] =	ssyncadd.s32 $0xFFFFFFFF  }
0xab: {  	s26 =	simm.s32 $execute0_lowered;
	[smem:$0x3FD2] =	sst s25  }
0xac: {  	s6 =	sshll.u32 s26, $0x1;
	_ =	strace $0x80000046;
	[dreg:$0x1] =	wrdreg $0xFFFFFFFF  }
0xad: {  	s28 =	simm.s32 $_size_execute0_lowered;
	s5 =	sadd.s32 s5, s6;
	[dreg:$0x0] =	wrdreg $0x0  }
0xae: {  	s6 =	sshll.u32 s28, $0x1;
	[dreg:$0x2] =	wrdreg s5  }
0xaf: {  	[dreg:$0x3] =	wrdreg s6  }
0xb0: {  	[dreg:$0x4] =	wrdreg $0xC0  }
0xb1: {  	_ =	task [dreg:s9], $0x5FFFF  }
0xb2: {  	[dreg:$0x1] =	wrdreg $0xFFFFFFFF  }
0xb3: {  	[dreg:$0x0] =	wrdreg $0x60  }
0xb4: {  	[dreg:$0x2] =	wrdreg s16  }
0xb5: {  	[dreg:$0x3] =	wrdreg s18  }
0xb6: {  	[dreg:$0x4] =	wrdreg s17  }
0xb7: {  	[dreg:$0x5] =	wrdreg $0x9  }
0xb8: {  	_ =	task.clear_ibuf [dreg:s9], $0x6FFFF;
	_ =	strace $0x90000046  }
0xb9: {  	s29 =	simm.s32 $0x9;
	_ =	strace $0x80000048  }
0xba: {  	_ =	swait.ge [sflag:s29], $0x1  }
0xbb: {  	[sflag:s29] =	ssyncadd.s32 $0xFFFFFFFF  }
0xbc: {  	_ =	strace $0x90000048  }
0xbd: {  	_ =	sfence  }
0xbe: {  	s30 =	sld [smem:$0x0];
	_ =	sdelay $0x2  }
0xbf: {  	s31 =	sshll.u32 s1, $0xD;
	s1 =	sshrl.u32 s1, $0x2  }
0xc0: {  	s3 =	sand.u32 $0x4000, s31;
	s1 =	sadd.s32 s1, s30  }
0xc1: {  	s0 =	sor.u32 s3, s0;
	s1 =	sshll.u32 s1, $0x11  }
0xc2: {  	s0 =	sor.u32 s1, s0  }
0xc3: {  	s0 =	sadd.s32 $0x8F2B, s0  }
0xc4: {  	[sflag:s0] =	ssyncadd.remote.s32 $0x1  }
0xc5: {  	_ =	sfence.sel $0xFFFF  }
0xc6: {  	[dreg:$0x0] =	wrdreg $0xFFFFFFFF;
	(pc) =	sbr.abs _section_cstart, $3  }
0xc7: {  	[dreg:$0x1] =	wrdreg $0xFFFFFFFF  }
0xc8: {  	_ =	task.clear_ibuf [dreg:s9], $0x2FFFF;
	_ =	strace $0x9FFFFFFF  }
0xc9: {  	(tm) =	ssettm $0x7FFFFFFF  }
tec
execute0_lowered:
.L_overlay_start_1:
0x0: {  	(tag) =	ssettag $0x1  }
0x1: {  	s1 =	rddreg [dreg:$0x0];
	s2 =	srdreg.scid  }
0x2: {  	s4 =	rddreg [dreg:$0x1];
	s0 =	stileid.u32  }
0x3: {  	s5 =	rddreg [dreg:$0x2];
	s3 =	simm.s32 $0x0;
	s17 =	simm.s32 $0x80  }
0x4: {  	s18 =	simm.s32 $0x900;
	s19 =	simm.s32 $0x1100;
	s20 =	simm.s32 $0x1900  }
0x5: {  	s21 =	simm.s32 $0x2100;
	s23 =	simm.s32 $0x2900;
	[smem:$0x7FF] =	sst s3  }
0x6: {  	s24 =	simm.s32 $0x3100;
	_ =	strace $0x80000047;
	[dreg:$0x8] =	wrdreg s17  }
0x7: {  	s25 =	simm.s32 $0x3900;
	s26 =	simm.s32 $0x4100;
	[dreg:$0x9] =	wrdreg s18  }
0x8: {  	s10 =	simm.s32 $0x6100;
	s11 =	simm.s32 $0x6900;
	[dreg:$0xa] =	wrdreg s19  }
0x9: {  	s12 =	simm.s32 $0x7100;
	s13 =	simm.s32 $0x7900;
	[dreg:$0xb] =	wrdreg s20  }
0xa: {  	s28 =	simm.s32 $0xE900;
	s29 =	simm.s32 $0xF100;
	[dreg:$0xc] =	wrdreg s21  }
0xb: {  	s30 =	simm.s32 $0xF900;
	s31 =	simm.s32 $0x1;
	[dreg:$0xd] =	wrdreg s23  }
0xc: {  	s2 =	sand.u32 $0x1, s2;
	s6 =	sshll.u32 s0, $0x9;
	[dreg:$0xe] =	wrdreg s24  }
0xd: {  	s7 =	sshll.u32 s2, $0x8;
	s2 =	ssub.s32 $0x2, s2;
	[dreg:$0xf] =	wrdreg s25  }
0xe: {  	[dreg:$0x10] =	wrdreg s26;
	s17 =	simm.s32 $0x9900;
	s18 =	simm.s32 $0xA100  }
0xf: {  	s19 =	simm.s32 $0xA900;
	s20 =	simm.s32 $0xB100;
	s21 =	simm.s32 $0xB900  }
0x10: {  	s23 =	simm.s32 $0xC900;
	s24 =	simm.s32 $0xD100;
	s25 =	simm.s32 $0xD900  }
0x11: {  	s26 =	simm.s32 $0xE100;
	s6 =	sor.u32 s7, s6;
	s22 =	sshrl.u32 s2, $0x1  }
0x12: {  	s7 =	sshrl.u32 s6, $0x3;
	s8 =	sor.u32 $0x80, s6;
	s6 =	sshll.u32 s6, $0x5  }
0x13: {  	s2 =	ssub.s32 s2, s22;
	s22 =	simm.s32 $0xC100;
	s7 =	sadd.s32 s4, s7  }
0x14: {  	s9 =	sshrl.u32 s8, $0x3;
	s14 =	sadd.s32 s5, s6;
	s15 =	sshll.u32 s8, $0x5  }
0x15: {  	s6 =	simm.s32 $0x100;
	s8 =	simm.s32 $0x5100;
	[dreg:$0x4] =	wrdreg s7  }
0x16: {  	s4 =	sadd.s32 s4, s9;
	[dreg:$0x6] =	wrdreg s14;
	s16 =	sadd.s32 s5, s15  }
0x17: {  	v2 =	vlaneseq.u32;
	s5 =	simm.s32 $0x3;
	s9 =	simm.s32 $0x5900;
	[dreg:$0x5] =	wrdreg s4  }
0x18: {  	vm0 =	vmmov $0xffff;
	v1 =	vshrl.u32 v2, $0x3;
	s14 =	simm.s32 $0x8100;
	s15 =	simm.s32 $0x8900;
	[dreg:$0x7] =	wrdreg s16  }
0x19: {  	v0 =	vand.u32 $0x7, v2;
	v2 =	vor.u32 $0x8, v2;
	v1 =	vmul.u32 $0x8, v1;
	s4 =	smax.u32 s2, $0x1;
	s16 =	simm.s32 $0x9100;
	s2 =	simm.s32 $0x2  }
.LBB2_1:
0x1a: {  	s0 =	rddreg [dreg:$0x4]  }
0x1b: {  	[tilespmem:s3], [sflag:$0x3] =	stream.linear.gather [hbm4b:s0+s3], $0x80, $0x38;
	[tilespmem:$0x10100] =	vst v63  }
0x1c: {  	_ =	swait.ge [sflag:s5], $0x80  }
0x1d: {  	s0 =	rddreg [dreg:$0x5];
	[sflag:s5] =	ssyncset.done $0x0  }
0x1e: {  	s7 =	rddreg [dreg:$0x8];
	[sflag:s5] =	ssyncadd.s32 $0xFFFFFF80  }
0x1f: {  	[tilespmem:s7], [sflag:$0x3] =	stream.linear.gather [hbm4b:s0+s3], $0x80, $0x38;
	[tilespmem:$0x10100] =	vst v63  }
0x20: {  	_ =	swait.ge [sflag:s5], $0x80  }
0x21: {  	[sflag:s5] =	ssyncset.done $0x0  }
0x22: {  	[sflag:s5] =	ssyncadd.s32 $0xFFFFFF80  }
0x23: {  	v3 =	vld [tilespmem:$0x0];
	_ =	sdelay $0x4  }
0x24: {  	v4 =	vshll.u32 v3, $0x1  }
0x25: {  	v3 =	vand.u32 $0x7, v3;
	v4 =	vand.u32 $0xFFFFFFF0, v4  }
0x26: {  	v3 =	vor.u32 v3, v4  }
0x27: {  	v4 =	vperm.xlane v3, v0;
	_ =	sdelay $0x1  }
0x28: {  	v3 =	vperm.xlane v3, v2;
	v4 =	vadd.s32 v1, v4;
	_ =	sdelay $0x1  }
0x29: {  	v3 =	vadd.s32 v1, v3;
	_ =	sdelay $0x2  }
0x2a: {  	[tilespmem:s6], [sflag:$0x1] =	stream.indirect_vreg.gather [hbm4b:s1+s3], $0x80, v4, vm0, $0xb8;
	[tilespmem:$0x10100] =	vst v63  }
0x2b: {  	s7 =	rddreg [dreg:$0x9]  }
0x2c: {  	[tilespmem:s7], [sflag:$0x1] =	stream.indirect_vreg.gather [hbm4b:s1+s3], $0x80, v3, vm0, $0xb8;
	[tilespmem:$0x10100] =	vst v63  }
0x2d: {  	v3 =	vld [tilespmem:$0x10];
	_ =	sdelay $0x4  }
0x2e: {  	v49 =	vshll.u32 v3, $0x1  }
0x2f: {  	v3 =	vand.u32 $0x7, v3;
	v4 =	vand.u32 $0xFFFFFFF0, v49  }
0x30: {  	v3 =	vor.u32 v3, v4  }
0x31: {  	v4 =	vperm.xlane v3, v0;
	_ =	sdelay $0x1  }
0x32: {  	v3 =	vperm.xlane v3, v2;
	v4 =	vadd.s32 v1, v4;
	_ =	sdelay $0x1  }
0x33: {  	v3 =	vadd.s32 v1, v3;
	_ =	sdelay $0x1  }
0x34: {  	s0 =	rddreg [dreg:$0xa]  }
0x35: {  	[tilespmem:s0], [sflag:$0x1] =	stream.indirect_vreg.gather [hbm4b:s1+s3], $0x80, v4, vm0, $0xb8;
	[tilespmem:$0x10100] =	vst v63  }
0x36: {  	s7 =	rddreg [dreg:$0xb]  }
0x37: {  	[tilespmem:s7], [sflag:$0x1] =	stream.indirect_vreg.gather [hbm4b:s1+s3], $0x80, v3, vm0, $0xb8;
	[tilespmem:$0x10100] =	vst v63  }
0x38: {  	v3 =	vld [tilespmem:$0x20];
	_ =	sdelay $0x4  }
0x39: {  	v50 =	vshll.u32 v3, $0x1  }
0x3a: {  	v3 =	vand.u32 $0x7, v3;
	v4 =	vand.u32 $0xFFFFFFF0, v50  }
0x3b: {  	v3 =	vor.u32 v3, v4  }
0x3c: {  	v4 =	vperm.xlane v3, v0;
	_ =	sdelay $0x1  }
0x3d: {  	v3 =	vperm.xlane v3, v2;
	v4 =	vadd.s32 v1, v4;
	_ =	sdelay $0x1  }
0x3e: {  	v3 =	vadd.s32 v1, v3;
	_ =	sdelay $0x1  }
0x3f: {  	s0 =	rddreg [dreg:$0xc]  }
0x40: {  	[tilespmem:s0], [sflag:$0x1] =	stream.indirect_vreg.gather [hbm4b:s1+s3], $0x80, v4, vm0, $0xb8;
	[tilespmem:$0x10100] =	vst v63  }
0x41: {  	s7 =	rddreg [dreg:$0xd]  }
0x42: {  	[tilespmem:s7], [sflag:$0x1] =	stream.indirect_vreg.gather [hbm4b:s1+s3], $0x80, v3, vm0, $0xb8;
	[tilespmem:$0x10100] =	vst v63  }
0x43: {  	v3 =	vld [tilespmem:$0x30];
	_ =	sdelay $0x4  }
0x44: {  	v51 =	vshll.u32 v3, $0x1  }
0x45: {  	v3 =	vand.u32 $0x7, v3;
	v4 =	vand.u32 $0xFFFFFFF0, v51  }
0x46: {  	v3 =	vor.u32 v3, v4  }
0x47: {  	v4 =	vperm.xlane v3, v0;
	_ =	sdelay $0x1  }
0x48: {  	v3 =	vperm.xlane v3, v2;
	v4 =	vadd.s32 v1, v4;
	_ =	sdelay $0x1  }
0x49: {  	v3 =	vadd.s32 v1, v3;
	_ =	sdelay $0x1  }
0x4a: {  	s0 =	rddreg [dreg:$0xe]  }
0x4b: {  	[tilespmem:s0], [sflag:$0x1] =	stream.indirect_vreg.gather [hbm4b:s1+s3], $0x80, v4, vm0, $0xb8;
	[tilespmem:$0x10100] =	vst v63  }
0x4c: {  	s7 =	rddreg [dreg:$0xf]  }
0x4d: {  	[tilespmem:s7], [sflag:$0x1] =	stream.indirect_vreg.gather [hbm4b:s1+s3], $0x80, v3, vm0, $0xb8;
	[tilespmem:$0x10100] =	vst v63  }
0x4e: {  	v3 =	vld [tilespmem:$0x40];
	_ =	sdelay $0x4  }
0x4f: {  	v52 =	vshll.u32 v3, $0x1  }
0x50: {  	v3 =	vand.u32 $0x7, v3;
	v4 =	vand.u32 $0xFFFFFFF0, v52  }
0x51: {  	v3 =	vor.u32 v3, v4  }
0x52: {  	v4 =	vperm.xlane v3, v0;
	_ =	sdelay $0x1  }
0x53: {  	v3 =	vperm.xlane v3, v2;
	v4 =	vadd.s32 v1, v4;
	_ =	sdelay $0x1  }
0x54: {  	v3 =	vadd.s32 v1, v3;
	_ =	sdelay $0x1  }
0x55: {  	s7 =	rddreg [dreg:$0x10]  }
0x56: {  	[tilespmem:s7], [sflag:$0x1] =	stream.indirect_vreg.gather [hbm4b:s1+s3], $0x80, v4, vm0, $0xb8;
	[tilespmem:$0x10100] =	vst v63  }
0x57: {  	s7 =	simm.s32 $0x4900  }
0x58: {  	[tilespmem:s7], [sflag:$0x1] =	stream.indirect_vreg.gather [hbm4b:s1+s3], $0x80, v3, vm0, $0xb8;
	[tilespmem:$0x10100] =	vst v63  }
0x59: {  	v3 =	vld [tilespmem:$0x50];
	_ =	sdelay $0x4  }
0x5a: {  	v53 =	vshll.u32 v3, $0x1  }
0x5b: {  	v3 =	vand.u32 $0x7, v3;
	v4 =	vand.u32 $0xFFFFFFF0, v53  }
0x5c: {  	v3 =	vor.u32 v3, v4  }
0x5d: {  	v4 =	vperm.xlane v3, v0;
	_ =	sdelay $0x1  }
0x5e: {  	v3 =	vperm.xlane v3, v2;
	v4 =	vadd.s32 v1, v4;
	_ =	sdelay $0x1  }
0x5f: {  	v3 =	vadd.s32 v1, v3;
	_ =	sdelay $0x2  }
0x60: {  	[tilespmem:s8], [sflag:$0x1] =	stream.indirect_vreg.gather [hbm4b:s1+s3], $0x80, v4, vm0, $0xb8;
	[tilespmem:$0x10100] =	vst v63  }
0x61: {  	_ = 	snop  }
0x62: {  	[tilespmem:s9], [sflag:$0x1] =	stream.indirect_vreg.gather [hbm4b:s1+s3], $0x80, v3, vm0, $0xb8;
	[tilespmem:$0x10100] =	vst v63  }
0x63: {  	v3 =	vld [tilespmem:$0x60];
	_ =	sdelay $0x4  }
0x64: {  	v54 =	vshll.u32 v3, $0x1  }
0x65: {  	v3 =	vand.u32 $0x7, v3;
	v4 =	vand.u32 $0xFFFFFFF0, v54  }
0x66: {  	v3 =	vor.u32 v3, v4  }
0x67: {  	v4 =	vperm.xlane v3, v0;
	_ =	sdelay $0x1  }
0x68: {  	v3 =	vperm.xlane v3, v2;
	v4 =	vadd.s32 v1, v4;
	_ =	sdelay $0x1  }
0x69: {  	v3 =	vadd.s32 v1, v3;
	_ =	sdelay $0x2  }
0x6a: {  	[tilespmem:s10], [sflag:$0x1] =	stream.indirect_vreg.gather [hbm4b:s1+s3], $0x80, v4, vm0, $0xb8;
	[tilespmem:$0x10100] =	vst v63  }
0x6b: {  	_ = 	snop  }
0x6c: {  	[tilespmem:s11], [sflag:$0x1] =	stream.indirect_vreg.gather [hbm4b:s1+s3], $0x80, v3, vm0, $0xb8;
	[tilespmem:$0x10100] =	vst v63  }
0x6d: {  	v3 =	vld [tilespmem:$0x70];
	_ =	sdelay $0x4  }
0x6e: {  	v55 =	vshll.u32 v3, $0x1  }
0x6f: {  	v3 =	vand.u32 $0x7, v3;
	v4 =	vand.u32 $0xFFFFFFF0, v55  }
0x70: {  	v3 =	vor.u32 v3, v4  }
0x71: {  	v4 =	vperm.xlane v3, v0;
	_ =	sdelay $0x1  }
0x72: {  	v3 =	vperm.xlane v3, v2;
	v4 =	vadd.s32 v1, v4;
	_ =	sdelay $0x1  }
0x73: {  	v3 =	vadd.s32 v1, v3;
	_ =	sdelay $0x2  }
0x74: {  	[tilespmem:s12], [sflag:$0x1] =	stream.indirect_vreg.gather [hbm4b:s1+s3], $0x80, v4, vm0, $0xb8;
	[tilespmem:$0x10100] =	vst v63  }
0x75: {  	_ = 	snop  }
0x76: {  	[tilespmem:s13], [sflag:$0x1] =	stream.indirect_vreg.gather [hbm4b:s1+s3], $0x80, v3, vm0, $0xb8;
	[tilespmem:$0x10100] =	vst v63  }
0x77: {  	v3 =	vld [tilespmem:$0x80];
	_ =	sdelay $0x4  }
0x78: {  	v56 =	vshll.u32 v3, $0x1  }
0x79: {  	v3 =	vand.u32 $0x7, v3;
	v4 =	vand.u32 $0xFFFFFFF0, v56  }
0x7a: {  	v3 =	vor.u32 v3, v4  }
0x7b: {  	v4 =	vperm.xlane v3, v0;
	_ =	sdelay $0x1  }
0x7c: {  	v3 =	vperm.xlane v3, v2;
	v4 =	vadd.s32 v1, v4;
	_ =	sdelay $0x1  }
0x7d: {  	v3 =	vadd.s32 v1, v3;
	_ =	sdelay $0x2  }
0x7e: {  	[tilespmem:s14], [sflag:$0x1] =	stream.indirect_vreg.gather [hbm4b:s1+s3], $0x80, v4, vm0, $0xb8;
	[tilespmem:$0x10100] =	vst v63  }
0x7f: {  	_ = 	snop  }
0x80: {  	[tilespmem:s15], [sflag:$0x1] =	stream.indirect_vreg.gather [hbm4b:s1+s3], $0x80, v3, vm0, $0xb8;
	[tilespmem:$0x10100] =	vst v63  }
0x81: {  	v3 =	vld [tilespmem:$0x90];
	_ =	sdelay $0x4  }
0x82: {  	v57 =	vshll.u32 v3, $0x1  }
0x83: {  	v3 =	vand.u32 $0x7, v3;
	v4 =	vand.u32 $0xFFFFFFF0, v57  }
0x84: {  	v3 =	vor.u32 v3, v4  }
0x85: {  	v4 =	vperm.xlane v3, v0;
	_ =	sdelay $0x1  }
0x86: {  	v3 =	vperm.xlane v3, v2;
	v4 =	vadd.s32 v1, v4;
	_ =	sdelay $0x1  }
0x87: {  	v3 =	vadd.s32 v1, v3;
	_ =	sdelay $0x2  }
0x88: {  	[tilespmem:s16], [sflag:$0x1] =	stream.indirect_vreg.gather [hbm4b:s1+s3], $0x80, v4, vm0, $0xb8;
	[tilespmem:$0x10100] =	vst v63  }
0x89: {  	_ = 	snop  }
0x8a: {  	[tilespmem:s17], [sflag:$0x1] =	stream.indirect_vreg.gather [hbm4b:s1+s3], $0x80, v3, vm0, $0xb8;
	[tilespmem:$0x10100] =	vst v63  }
0x8b: {  	v3 =	vld [tilespmem:$0xA0];
	_ =	sdelay $0x4  }
0x8c: {  	v58 =	vshll.u32 v3, $0x1  }
0x8d: {  	v3 =	vand.u32 $0x7, v3;
	v4 =	vand.u32 $0xFFFFFFF0, v58  }
0x8e: {  	v3 =	vor.u32 v3, v4  }
0x8f: {  	v4 =	vperm.xlane v3, v0;
	_ =	sdelay $0x1  }
0x90: {  	v3 =	vperm.xlane v3, v2;
	v4 =	vadd.s32 v1, v4;
	_ =	sdelay $0x1  }
0x91: {  	v3 =	vadd.s32 v1, v3;
	_ =	sdelay $0x2  }
0x92: {  	[tilespmem:s18], [sflag:$0x1] =	stream.indirect_vreg.gather [hbm4b:s1+s3], $0x80, v4, vm0, $0xb8;
	[tilespmem:$0x10100] =	vst v63  }
0x93: {  	_ = 	snop  }
0x94: {  	[tilespmem:s19], [sflag:$0x1] =	stream.indirect_vreg.gather [hbm4b:s1+s3], $0x80, v3, vm0, $0xb8;
	[tilespmem:$0x10100] =	vst v63  }
0x95: {  	v3 =	vld [tilespmem:$0xB0];
	_ =	sdelay $0x4  }
0x96: {  	v59 =	vshll.u32 v3, $0x1  }
0x97: {  	v3 =	vand.u32 $0x7, v3;
	v4 =	vand.u32 $0xFFFFFFF0, v59  }
0x98: {  	v3 =	vor.u32 v3, v4  }
0x99: {  	v4 =	vperm.xlane v3, v0;
	_ =	sdelay $0x1  }
0x9a: {  	v3 =	vperm.xlane v3, v2;
	v4 =	vadd.s32 v1, v4;
	_ =	sdelay $0x1  }
0x9b: {  	v3 =	vadd.s32 v1, v3;
	_ =	sdelay $0x2  }
0x9c: {  	[tilespmem:s20], [sflag:$0x1] =	stream.indirect_vreg.gather [hbm4b:s1+s3], $0x80, v4, vm0, $0xb8;
	[tilespmem:$0x10100] =	vst v63  }
0x9d: {  	_ = 	snop  }
0x9e: {  	[tilespmem:s21], [sflag:$0x1] =	stream.indirect_vreg.gather [hbm4b:s1+s3], $0x80, v3, vm0, $0xb8;
	[tilespmem:$0x10100] =	vst v63  }
0x9f: {  	v3 =	vld [tilespmem:$0xC0];
	_ =	sdelay $0x4  }
0xa0: {  	v60 =	vshll.u32 v3, $0x1  }
0xa1: {  	v3 =	vand.u32 $0x7, v3;
	v4 =	vand.u32 $0xFFFFFFF0, v60  }
0xa2: {  	v3 =	vor.u32 v3, v4  }
0xa3: {  	v4 =	vperm.xlane v3, v0;
	_ =	sdelay $0x1  }
0xa4: {  	v3 =	vperm.xlane v3, v2;
	v4 =	vadd.s32 v1, v4;
	_ =	sdelay $0x1  }
0xa5: {  	v3 =	vadd.s32 v1, v3;
	_ =	sdelay $0x2  }
0xa6: {  	[tilespmem:s22], [sflag:$0x1] =	stream.indirect_vreg.gather [hbm4b:s1+s3], $0x80, v4, vm0, $0xb8;
	[tilespmem:$0x10100] =	vst v63  }
0xa7: {  	_ = 	snop  }
0xa8: {  	[tilespmem:s23], [sflag:$0x1] =	stream.indirect_vreg.gather [hbm4b:s1+s3], $0x80, v3, vm0, $0xb8;
	[tilespmem:$0x10100] =	vst v63  }
0xa9: {  	v3 =	vld [tilespmem:$0xD0];
	_ =	sdelay $0x4  }
0xaa: {  	v61 =	vshll.u32 v3, $0x1  }
0xab: {  	v3 =	vand.u32 $0x7, v3;
	v4 =	vand.u32 $0xFFFFFFF0, v61  }
0xac: {  	v3 =	vor.u32 v3, v4  }
0xad: {  	v4 =	vperm.xlane v3, v0;
	_ =	sdelay $0x1  }
0xae: {  	v3 =	vperm.xlane v3, v2;
	v4 =	vadd.s32 v1, v4;
	_ =	sdelay $0x1  }
0xaf: {  	v3 =	vadd.s32 v1, v3;
	_ =	sdelay $0x2  }
0xb0: {  	[tilespmem:s24], [sflag:$0x1] =	stream.indirect_vreg.gather [hbm4b:s1+s3], $0x80, v4, vm0, $0xb8;
	[tilespmem:$0x10100] =	vst v63  }
0xb1: {  	_ = 	snop  }
0xb2: {  	[tilespmem:s25], [sflag:$0x1] =	stream.indirect_vreg.gather [hbm4b:s1+s3], $0x80, v3, vm0, $0xb8;
	[tilespmem:$0x10100] =	vst v63  }
0xb3: {  	v3 =	vld [tilespmem:$0xE0];
	_ =	sdelay $0x4  }
0xb4: {  	v62 =	vshll.u32 v3, $0x1  }
0xb5: {  	v3 =	vand.u32 $0x7, v3;
	v4 =	vand.u32 $0xFFFFFFF0, v62  }
0xb6: {  	v3 =	vor.u32 v3, v4  }
0xb7: {  	v4 =	vperm.xlane v3, v0;
	_ =	sdelay $0x1  }
0xb8: {  	v3 =	vperm.xlane v3, v2;
	v4 =	vadd.s32 v1, v4;
	_ =	sdelay $0x1  }
0xb9: {  	v3 =	vadd.s32 v1, v3;
	_ =	sdelay $0x2  }
0xba: {  	[tilespmem:s26], [sflag:$0x1] =	stream.indirect_vreg.gather [hbm4b:s1+s3], $0x80, v4, vm0, $0xb8;
	[tilespmem:$0x10100] =	vst v63  }
0xbb: {  	_ = 	snop  }
0xbc: {  	[tilespmem:s28], [sflag:$0x1] =	stream.indirect_vreg.gather [hbm4b:s1+s3], $0x80, v3, vm0, $0xb8;
	[tilespmem:$0x10100] =	vst v63  }
0xbd: {  	v3 =	vld [tilespmem:$0xF0];
	_ =	sdelay $0x4  }
0xbe: {  	v63 =	vshll.u32 v3, $0x1  }
0xbf: {  	v3 =	vand.u32 $0x7, v3;
	v4 =	vand.u32 $0xFFFFFFF0, v63  }
0xc0: {  	v3 =	vor.u32 v3, v4  }
0xc1: {  	v4 =	vperm.xlane v3, v0;
	_ =	sdelay $0x1  }
0xc2: {  	v3 =	vperm.xlane v3, v2;
	v4 =	vadd.s32 v1, v4;
	_ =	sdelay $0x1  }
0xc3: {  	v3 =	vadd.s32 v1, v3;
	_ =	sdelay $0x2  }
0xc4: {  	[tilespmem:s29], [sflag:$0x1] =	stream.indirect_vreg.gather [hbm4b:s1+s3], $0x80, v4, vm0, $0xb8;
	[tilespmem:$0x10100] =	vst v63  }
0xc5: {  	_ = 	snop  }
0xc6: {  	[tilespmem:s30], [sflag:$0x1] =	stream.indirect_vreg.gather [hbm4b:s1+s3], $0x80, v3, vm0, $0xb8;
	[tilespmem:$0x10100] =	vst v63  }
0xc7: {  	_ =	swait.ge [sflag:s31], $0x8000  }
0xc8: {  	[sflag:s31] =	ssyncset.done $0x0  }
0xc9: {  	s7 =	rddreg [dreg:$0x6];
	[sflag:s31] =	ssyncadd.s32 $0xFFFF8000  }
0xca: {  	[hbm4b:s7+s3] =	stream.linear.scatter [tilespmem:s6], [sflag:$0x2], $0x8000, $0x38;
	[tilespmem:$0x10100] =	vst v63  }
0xcb: {  	_ =	swait.ge [sflag:s31], $0x8000  }
0xcc: {  	[sflag:s31] =	ssyncset.done $0x0  }
0xcd: {  	s7 =	rddreg [dreg:$0x7];
	[sflag:s31] =	ssyncadd.s32 $0xFFFF8000  }
0xce: {  	[hbm4b:s7+s3] =	stream.linear.scatter [tilespmem:s14], [sflag:$0x2], $0x8000, $0x38;
	[tilespmem:$0x10100] =	vst v63  }
0xcf: {  	p0 =	sne.s32 s4, $0x1;
	_ =	swait.ge [sflag:s2], $0x8000  }
.Ltmp0:
0xd0: {  	[sflag:s2] =	ssyncset.done $0x0;
	(pc) =	sbr.rel @p0 .LBB2_1-.Ltmp0, $4  }
0xd1: {  	[sflag:s2] =	ssyncadd.s32 $0xFFFF8000  }
0xd2: {  	_ =	swait.ge [sflag:s2], $0x8000  }
0xd3: {  	[sflag:s2] =	ssyncset.done $0x0  }
0xd4: {  	s4 =	sadd.s32 $0xFFFFFFFF, s4;
	[sflag:s2] =	ssyncadd.s32 $0xFFFF8000  }
0xd5: {  	_ =	sfence.sel $0x180000  }
0xd6: {  	[bflag:$0x0] =	sbarrier.arrive $0xFFFF  }
0xd7: {  	_ =	strace $0x90000047  }
0xd8: {  	s0 =	stileid.u32;
	[bflag:$0x2] =	sbarrier.arrive $0xFFFF  }
0xd9: {  	p0 =	sne.s32 s0, $0x0;
	s0 =	rddreg [dreg:$0x3]  }
0xda: {  	s0 =	sadd.s32 @!p0 $0x100000, s0  }
0xdb: {  	[sflag:s0] =	ssyncadd.tile.s32 @!p0 $0x1;
	_ =	shalt  }
.Lfunc_end2:
_tile_overlayer_lowered:
.L_overlay_start_2:
0xdc: {  	(tag) =	ssettag $0x2  }
0xdd: {  	s0 =	rddreg [dreg:$0x0];
	s2 =	stileid.u32  }
0xde: {  	s1 =	rddreg [dreg:$0x1];
	p0 =	sne.s32 s2, $0x0  }
0xdf: {  	s3 =	rddreg [dreg:$0x2];
	[bflag:$0x3] =	sbarrier.arrive $0xFFFF;
	s2 =	simm.s32 @!p0 $0x1C03  }
0xe0: {  	[timem:s3], [sflag:s2] =	dma.local @!p0 [hbm:s0], s1  }
0xe1: {  	s0 =	simm.s32 @!p0 $0x3  }
0xe2: {  	_ =	swait.ge @!p0 [sflag:s0], s1  }
0xe3: {  	s1 =	ssub.s32 @!p0 $0x0, s1;
	[sflag:s0] =	ssyncset.done @!p0 $0x0  }
0xe4: {  	[sflag:s0] =	ssyncadd.s32 @!p0 s1  }
0xe5: {  	[bflag:$0x3] =	sbarrier.arrive $0xFFFF  }
0xe6: {  	_ =	shalt  }

</sc_bundles>
